<compile_context>
chip_gen: v7x
topology: tpu7x:2x2x1
jax: 0.10.2.dev20260603
libtpu: 0.0.44.dev20260713+nightly
codegen_flags: <defaults>
</compile_context>

<pallas_src>
import jax
import jax.numpy as jnp
from jax import lax
from jax.experimental import pallas as pl
from jax.experimental.pallas import tpu as pltpu
import jax.experimental.pallas.tpu_sc as plsc

T = 4096
N = 16
C = 256
T2 = T // 2
CHUNK = 128
NCHUNKS = T2 // CHUNK


def _body(x_hbm, lens_hbm, out_hbm, lens_out_hbm, buf, zbuf, lens_v, lo_v):
    n = lax.axis_index("s")
    j = lax.axis_index("c")

    pltpu.sync_copy(lens_hbm, lens_v.at[pl.ds(0, N)])
    pltpu.sync_copy(lens_hbm, lens_v.at[pl.ds(N, N)])
    myl = lens_v[pl.ds(n, 16)][0]
    cnt = lax.shift_right_logical(myl + (1 - j), 1)

    @pl.when(jnp.logical_and(n == 0, j == 0))
    def _():
        l = lens_v[pl.ds(0, 16)]
        lo_v[...] = lax.shift_right_logical(l + 1, 1)
        pltpu.sync_copy(lo_v, lens_out_hbm)

    zvec = jnp.zeros((16,), jnp.float32)

    def _zrow(r, carry):
        for v in range(C // 16):
            zbuf[r, pl.ds(v * 16, 16)] = zvec
        return carry

    lax.fori_loop(0, CHUNK, _zrow, 0)

    qi = j * 16 + n
    qo = n * 2 + j

    def _chunk(i, carry):
        t2s = i * CHUNK

        @pl.when(cnt <= t2s)
        def _():
            pltpu.sync_copy(zbuf, out_hbm.at[pl.ds(t2s, CHUNK), qo, :])

        @pl.when(cnt > t2s)
        def _():
            pltpu.sync_copy(x_hbm.at[pl.ds(t2s, CHUNK), qi, :], buf)

            @pl.when(cnt < t2s + CHUNK)
            def _():
                m = cnt - t2s

                def _mrow(r, c2):
                    @pl.when(r >= m)
                    def _():
                        for v in range(C // 16):
                            buf[r, pl.ds(v * 16, 16)] = zvec

                    return c2

                lax.fori_loop(0, CHUNK, _mrow, 0)

            pltpu.sync_copy(buf, out_hbm.at[pl.ds(t2s, CHUNK), qo, :])

        return carry

    lax.fori_loop(0, NCHUNKS, _chunk, 0)


@jax.jit
def kernel(x, x_lens):
    x3 = x.reshape(T2, 2 * N, C)
    mesh = plsc.VectorSubcoreMesh(core_axis_name="c", subcore_axis_name="s")
    out3, lens_out = pl.kernel(
        _body,
        out_type=[
            jax.ShapeDtypeStruct((T2, 2 * N, C), jnp.float32),
            jax.ShapeDtypeStruct((N,), jnp.int32),
        ],
        mesh=mesh,
        scratch_types=[
            pltpu.VMEM((CHUNK, C), jnp.float32),
            pltpu.VMEM((CHUNK, C), jnp.float32),
            pltpu.VMEM((2 * N,), jnp.int32),
            pltpu.VMEM((N,), jnp.int32),
        ],
    )(x3, x_lens.astype(jnp.int32))
    return out3.reshape(T2, N, 2 * C), lens_out

# --- scband reference (transcript-rebuilt; emitter-appended) ---
"""Pipeline reference for scband-stack-time-52888227283482 (READ-ONLY COPY).

The authoritative reference and input builder live on the scoring server;
editing this copy changes nothing except your own understanding.
"""

import jax, jax.numpy as jnp
import numpy as np

FACTOR = 2

def setup_inputs(seed: int = 0) -> dict:
    key = jax.random.key(seed)
    k1, k2 = jax.random.split(key)
    x = jax.random.normal(k1, (4096, 16, 256), dtype=jnp.float32)
    x_lens = jax.random.randint(k2, (16,), 0, 4096, dtype=jnp.int32)
    return {"x": x, "x_lens": x_lens}

def reference(x, x_lens):
    factor = FACTOR
    T, N, C = x.shape
    lens = x_lens.astype(jnp.int32)
    # zero out padded frames: x[x_lens[b]:, b, :] = 0
    t_idx = jnp.arange(T, dtype=jnp.int32)
    mask = t_idx[:, None] < lens[None, :]  # [T, N]
    x = jnp.where(mask[:, :, None], x, jnp.zeros((), dtype=x.dtype))
    # transpose to [N, T, C]
    x = jnp.transpose(x, (1, 0, 2))
    # pad T to a multiple of factor
    pad = T % factor
    zeros = jnp.zeros((N, pad, C), dtype=x.dtype)
    x = jnp.concatenate([x, zeros], axis=1)
    # stack `factor` consecutive frames along channel dim
    x = jnp.reshape(x, (N, x.shape[1] // factor, C * factor))
    # back to time-major [ceil(T/factor), N, C*factor]
    x = jnp.transpose(x, (1, 0, 2))
    x_lens_out = jnp.ceil(lens.astype(jnp.float32) / factor).astype(jnp.int32)
    return (x, x_lens_out)

if __name__ == "__main__":
    import jax
    _d = setup_inputs()
    print(jax.jit(kernel)(*tuple(_d.values())))

</pallas_src>

<mosaic_0001>
#map = affine_map<(d0, d1) -> (0, 0, 0)>
#map1 = affine_map<(d0, d1) -> (0)>
module attributes {stable_mosaic.version = 14 : i64} {
  func.func @_body(%arg0: i32, %arg1: i32, %arg2: memref<2048x32x256xf32, #tpu.memory_space<hbm>>, %arg3: memref<16xi32, #tpu.memory_space<hbm>>, %arg4: memref<2048x32x256xf32, #tpu.memory_space<hbm>>, %arg5: memref<16xi32, #tpu.memory_space<hbm>>, %arg6: memref<128x256xf32, #tpu.memory_space<vmem>>, %arg7: memref<128x256xf32, #tpu.memory_space<vmem>>, %arg8: memref<32xi32, #tpu.memory_space<vmem>>, %arg9: memref<16xi32, #tpu.memory_space<vmem>>) attributes {dimension_semantics = [#tpu.dimension_semantics<core_parallel>, #tpu.dimension_semantics<subcore_parallel>], iteration_bounds = array<i64: 2, 16>, scalar_prefetch = 0 : i64, scratch_operands = 4 : i64, tpu.core_type = #tpu.core_type<sc_vector_subcore>, window_params = [{transform_indices = #map}, {transform_indices = #map1}, {transform_indices = #map}, {transform_indices = #map1}]} {
    "tpu.region"() ({
      %run_scoped3A = tpu.sem_alloc : memref<!tpu.dma_semaphore, #tpu.memory_space<semaphore_mem>>
      %dma_start3A = arith.constant 0 : i32
      %dma_start3A_25 = tpu.memref_slice %arg8[%dma_start3A] : memref<32xi32, #tpu.memory_space<vmem>> -> memref<16xi32, #tpu.memory_space<vmem>>
      %dma_start3A_26 = arith.constant 0 : i32
      %dma_start3A_27 = tpu.memref_slice %arg8[%dma_start3A_26] : memref<32xi32, #tpu.memory_space<vmem>> -> memref<16xi32, #tpu.memory_space<vmem>>
      tpu.enqueue_dma source(%arg3 : memref<16xi32, #tpu.memory_space<hbm>>) target(%dma_start3A_27 : memref<16xi32, #tpu.memory_space<vmem>>) target_semaphore(%run_scoped3A : memref<!tpu.dma_semaphore, #tpu.memory_space<semaphore_mem>>)
      %dma_wait3A = arith.constant 0 : i32
      %dma_wait3A_28 = tpu.memref_slice %arg8[%dma_wait3A] : memref<32xi32, #tpu.memory_space<vmem>> -> memref<16xi32, #tpu.memory_space<vmem>>
      %dma_wait3A_29 = arith.constant 0 : i32
      %dma_wait3A_30 = tpu.memref_slice %arg8[%dma_wait3A_29] : memref<32xi32, #tpu.memory_space<vmem>> -> memref<16xi32, #tpu.memory_space<vmem>>
      tpu.wait_dma2 semaphore(%run_scoped3A : memref<!tpu.dma_semaphore, #tpu.memory_space<semaphore_mem>>) src(%arg3 : memref<16xi32, #tpu.memory_space<hbm>>) dst(%dma_wait3A_30 : memref<16xi32, #tpu.memory_space<vmem>>)
      tpu.yield
    }) : () -> ()
    "tpu.region"() ({
      %run_scoped3A = tpu.sem_alloc : memref<!tpu.dma_semaphore, #tpu.memory_space<semaphore_mem>>
      %dma_start3A = arith.constant 16 : i32
      %dma_start3A_25 = tpu.memref_slice %arg8[%dma_start3A] : memref<32xi32, #tpu.memory_space<vmem>> -> memref<16xi32, #tpu.memory_space<vmem>>
      %dma_start3A_26 = arith.constant 16 : i32
      %dma_start3A_27 = tpu.memref_slice %arg8[%dma_start3A_26] : memref<32xi32, #tpu.memory_space<vmem>> -> memref<16xi32, #tpu.memory_space<vmem>>
      tpu.enqueue_dma source(%arg3 : memref<16xi32, #tpu.memory_space<hbm>>) target(%dma_start3A_27 : memref<16xi32, #tpu.memory_space<vmem>>) target_semaphore(%run_scoped3A : memref<!tpu.dma_semaphore, #tpu.memory_space<semaphore_mem>>)
      %dma_wait3A = arith.constant 16 : i32
      %dma_wait3A_28 = tpu.memref_slice %arg8[%dma_wait3A] : memref<32xi32, #tpu.memory_space<vmem>> -> memref<16xi32, #tpu.memory_space<vmem>>
      %dma_wait3A_29 = arith.constant 16 : i32
      %dma_wait3A_30 = tpu.memref_slice %arg8[%dma_wait3A_29] : memref<32xi32, #tpu.memory_space<vmem>> -> memref<16xi32, #tpu.memory_space<vmem>>
      tpu.wait_dma2 semaphore(%run_scoped3A : memref<!tpu.dma_semaphore, #tpu.memory_space<semaphore_mem>>) src(%arg3 : memref<16xi32, #tpu.memory_space<hbm>>) dst(%dma_wait3A_30 : memref<16xi32, #tpu.memory_space<vmem>>)
      tpu.yield
    }) : () -> ()
    %get3A = arith.index_cast %arg1 : i32 to index
    %get3A_0 = tpu.vector_load %arg8[%get3A] {strides = array<i32>} : memref<32xi32, #tpu.memory_space<vmem>>, vector<16xi32>,
    %get3A_1 = vector.shape_cast %get3A_0 : vector<16xi32> to vector<16xi32>
    %slice3A = vector.extract_strided_slice %get3A_1 {offsets = [0], sizes = [1], strides = [1]} : vector<16xi32> to vector<1xi32>
    %squeeze3A = vector.extract %slice3A[0] : i32 from vector<1xi32>
    %sub3A = arith.constant 1 : i32
    %sub3A_2 = arith.subi %sub3A, %arg0 : i32
    %add3A = arith.addi %squeeze3A, %sub3A_2 : i32
    %shift_right_logical3A = arith.constant 1 : i32
    %shift_right_logical3A_3 = arith.shrui %add3A, %shift_right_logical3A : i32
    %eq3A = arith.constant 0 : i32
    %eq3A_4 = arith.cmpi eq, %arg1, %eq3A : i32
    %eq3A_5 = arith.constant 0 : i32
    %eq3A_6 = arith.cmpi eq, %arg0, %eq3A_5 : i32
    %and3A = arith.andi %eq3A_4, %eq3A_6 : i1
    %convert_element_type3A = arith.extui %and3A : i1 to i32
    %cond3A = arith.constant 0 : i32
    %cond3A_7 = arith.cmpi ne, %convert_element_type3A, %cond3A : i32
    scf.if %cond3A_7 {
      %get3A_25 = arith.constant 0 : index
      %get3A_26 = tpu.vector_load %arg8[%get3A_25] {strides = array<i32>} : memref<32xi32, #tpu.memory_space<vmem>>, vector<16xi32>,
      %get3A_27 = vector.shape_cast %get3A_26 : vector<16xi32> to vector<16xi32>
      %add3A_28 = arith.constant 1 : i32
      %add3A_29 = vector.broadcast %add3A_28 : i32 to vector<16xi32>
      %add3A_30 = arith.addi %get3A_27, %add3A_29 : vector<16xi32>
      %shift_right_logical3A_31 = arith.constant 1 : i32
      %shift_right_logical3A_32 = vector.broadcast %shift_right_logical3A_31 : i32 to vector<16xi32>
      %shift_right_logical3A_33 = arith.shrui %add3A_30, %shift_right_logical3A_32 : vector<16xi32>
      %swap3A = arith.constant 0 : index
      %swap3A_34 = tpu.vector_load %arg9[%swap3A] {strides = array<i32>} : memref<16xi32, #tpu.memory_space<vmem>>, vector<16xi32>,
      %swap3A_35 = vector.shape_cast %swap3A_34 : vector<16xi32> to vector<16xi32>
      %swap3A_36 = vector.shape_cast %shift_right_logical3A_33 : vector<16xi32> to vector<16xi32>
      tpu.vector_store %arg9[%swap3A], %swap3A_36 {strides = array<i32>} : memref<16xi32, #tpu.memory_space<vmem>>, vector<16xi32>,
      "tpu.region"() ({
        %run_scoped3A = tpu.sem_alloc : memref<!tpu.dma_semaphore, #tpu.memory_space<semaphore_mem>>
        tpu.enqueue_dma source(%arg9 : memref<16xi32, #tpu.memory_space<vmem>>) target(%arg5 : memref<16xi32, #tpu.memory_space<hbm>>) target_semaphore(%run_scoped3A : memref<!tpu.dma_semaphore, #tpu.memory_space<semaphore_mem>>)
        tpu.wait_dma2 semaphore(%run_scoped3A : memref<!tpu.dma_semaphore, #tpu.memory_space<semaphore_mem>>) src(%arg9 : memref<16xi32, #tpu.memory_space<vmem>>) dst(%arg5 : memref<16xi32, #tpu.memory_space<hbm>>)
        tpu.yield
      }) : () -> ()
    } else {
    }
    %broadcast_in_dim3A = arith.constant 0.000000e+00 : f32
    %broadcast_in_dim3A_8 = vector.broadcast %broadcast_in_dim3A : f32 to vector<16xf32>
    %scan3A = arith.constant 0 : i32
    %scan3A_9 = arith.constant 0 : i32
    %scan3A_10 = arith.constant 128 : i32
    %scan3A_11 = arith.addi %scan3A_9, %scan3A_10 : i32
    %scan3A_12 = arith.constant 1 : i32
    scf.for %scan3A_25 = %scan3A_9 to %scan3A_11 step %scan3A_12  : i32 {
      %swap3A = arith.index_cast %scan3A_25 : i32 to index
      %swap3A_26 = arith.constant 0 : index
      %swap3A_27 = tpu.vector_load %arg7[%swap3A, %swap3A_26] {strides = array<i32>} : memref<128x256xf32, #tpu.memory_space<vmem>>, vector<1x16xf32>,
      %swap3A_28 = vector.shape_cast %swap3A_27 : vector<1x16xf32> to vector<16xf32>
      %swap3A_29 = vector.shape_cast %broadcast_in_dim3A_8 : vector<16xf32> to vector<1x16xf32>
      tpu.vector_store %arg7[%swap3A, %swap3A_26], %swap3A_29 {strides = array<i32>} : memref<128x256xf32, #tpu.memory_space<vmem>>, vector<1x16xf32>,
      %swap3A_30 = arith.index_cast %scan3A_25 : i32 to index
      %swap3A_31 = arith.constant 16 : index
      %swap3A_32 = tpu.vector_load %arg7[%swap3A_30, %swap3A_31] {strides = array<i32>} : memref<128x256xf32, #tpu.memory_space<vmem>>, vector<1x16xf32>,
      %swap3A_33 = vector.shape_cast %swap3A_32 : vector<1x16xf32> to vector<16xf32>
      %swap3A_34 = vector.shape_cast %broadcast_in_dim3A_8 : vector<16xf32> to vector<1x16xf32>
      tpu.vector_store %arg7[%swap3A_30, %swap3A_31], %swap3A_34 {strides = array<i32>} : memref<128x256xf32, #tpu.memory_space<vmem>>, vector<1x16xf32>,
      %swap3A_35 = arith.index_cast %scan3A_25 : i32 to index
      %swap3A_36 = arith.constant 32 : index
      %swap3A_37 = tpu.vector_load %arg7[%swap3A_35, %swap3A_36] {strides = array<i32>} : memref<128x256xf32, #tpu.memory_space<vmem>>, vector<1x16xf32>,
      %swap3A_38 = vector.shape_cast %swap3A_37 : vector<1x16xf32> to vector<16xf32>
      %swap3A_39 = vector.shape_cast %broadcast_in_dim3A_8 : vector<16xf32> to vector<1x16xf32>
      tpu.vector_store %arg7[%swap3A_35, %swap3A_36], %swap3A_39 {strides = array<i32>} : memref<128x256xf32, #tpu.memory_space<vmem>>, vector<1x16xf32>,
      %swap3A_40 = arith.index_cast %scan3A_25 : i32 to index
      %swap3A_41 = arith.constant 48 : index
      %swap3A_42 = tpu.vector_load %arg7[%swap3A_40, %swap3A_41] {strides = array<i32>} : memref<128x256xf32, #tpu.memory_space<vmem>>, vector<1x16xf32>,
      %swap3A_43 = vector.shape_cast %swap3A_42 : vector<1x16xf32> to vector<16xf32>
      %swap3A_44 = vector.shape_cast %broadcast_in_dim3A_8 : vector<16xf32> to vector<1x16xf32>
      tpu.vector_store %arg7[%swap3A_40, %swap3A_41], %swap3A_44 {strides = array<i32>} : memref<128x256xf32, #tpu.memory_space<vmem>>, vector<1x16xf32>,
      %swap3A_45 = arith.index_cast %scan3A_25 : i32 to index
      %swap3A_46 = arith.constant 64 : index
      %swap3A_47 = tpu.vector_load %arg7[%swap3A_45, %swap3A_46] {strides = array<i32>} : memref<128x256xf32, #tpu.memory_space<vmem>>, vector<1x16xf32>,
      %swap3A_48 = vector.shape_cast %swap3A_47 : vector<1x16xf32> to vector<16xf32>
      %swap3A_49 = vector.shape_cast %broadcast_in_dim3A_8 : vector<16xf32> to vector<1x16xf32>
      tpu.vector_store %arg7[%swap3A_45, %swap3A_46], %swap3A_49 {strides = array<i32>} : memref<128x256xf32, #tpu.memory_space<vmem>>, vector<1x16xf32>,
      %swap3A_50 = arith.index_cast %scan3A_25 : i32 to index
      %swap3A_51 = arith.constant 80 : index
      %swap3A_52 = tpu.vector_load %arg7[%swap3A_50, %swap3A_51] {strides = array<i32>} : memref<128x256xf32, #tpu.memory_space<vmem>>, vector<1x16xf32>,
      %swap3A_53 = vector.shape_cast %swap3A_52 : vector<1x16xf32> to vector<16xf32>
      %swap3A_54 = vector.shape_cast %broadcast_in_dim3A_8 : vector<16xf32> to vector<1x16xf32>
      tpu.vector_store %arg7[%swap3A_50, %swap3A_51], %swap3A_54 {strides = array<i32>} : memref<128x256xf32, #tpu.memory_space<vmem>>, vector<1x16xf32>,
      %swap3A_55 = arith.index_cast %scan3A_25 : i32 to index
      %swap3A_56 = arith.constant 96 : index
      %swap3A_57 = tpu.vector_load %arg7[%swap3A_55, %swap3A_56] {strides = array<i32>} : memref<128x256xf32, #tpu.memory_space<vmem>>, vector<1x16xf32>,
      %swap3A_58 = vector.shape_cast %swap3A_57 : vector<1x16xf32> to vector<16xf32>
      %swap3A_59 = vector.shape_cast %broadcast_in_dim3A_8 : vector<16xf32> to vector<1x16xf32>
      tpu.vector_store %arg7[%swap3A_55, %swap3A_56], %swap3A_59 {strides = array<i32>} : memref<128x256xf32, #tpu.memory_space<vmem>>, vector<1x16xf32>,
      %swap3A_60 = arith.index_cast %scan3A_25 : i32 to index
      %swap3A_61 = arith.constant 112 : index
      %swap3A_62 = tpu.vector_load %arg7[%swap3A_60, %swap3A_61] {strides = array<i32>} : memref<128x256xf32, #tpu.memory_space<vmem>>, vector<1x16xf32>,
      %swap3A_63 = vector.shape_cast %swap3A_62 : vector<1x16xf32> to vector<16xf32>
      %swap3A_64 = vector.shape_cast %broadcast_in_dim3A_8 : vector<16xf32> to vector<1x16xf32>
      tpu.vector_store %arg7[%swap3A_60, %swap3A_61], %swap3A_64 {strides = array<i32>} : memref<128x256xf32, #tpu.memory_space<vmem>>, vector<1x16xf32>,
      %swap3A_65 = arith.index_cast %scan3A_25 : i32 to index
      %swap3A_66 = arith.constant 128 : index
      %swap3A_67 = tpu.vector_load %arg7[%swap3A_65, %swap3A_66] {strides = array<i32>} : memref<128x256xf32, #tpu.memory_space<vmem>>, vector<1x16xf32>,
      %swap3A_68 = vector.shape_cast %swap3A_67 : vector<1x16xf32> to vector<16xf32>
      %swap3A_69 = vector.shape_cast %broadcast_in_dim3A_8 : vector<16xf32> to vector<1x16xf32>
      tpu.vector_store %arg7[%swap3A_65, %swap3A_66], %swap3A_69 {strides = array<i32>} : memref<128x256xf32, #tpu.memory_space<vmem>>, vector<1x16xf32>,
      %swap3A_70 = arith.index_cast %scan3A_25 : i32 to index
      %swap3A_71 = arith.constant 144 : index
      %swap3A_72 = tpu.vector_load %arg7[%swap3A_70, %swap3A_71] {strides = array<i32>} : memref<128x256xf32, #tpu.memory_space<vmem>>, vector<1x16xf32>,
      %swap3A_73 = vector.shape_cast %swap3A_72 : vector<1x16xf32> to vector<16xf32>
      %swap3A_74 = vector.shape_cast %broadcast_in_dim3A_8 : vector<16xf32> to vector<1x16xf32>
      tpu.vector_store %arg7[%swap3A_70, %swap3A_71], %swap3A_74 {strides = array<i32>} : memref<128x256xf32, #tpu.memory_space<vmem>>, vector<1x16xf32>,
      %swap3A_75 = arith.index_cast %scan3A_25 : i32 to index
      %swap3A_76 = arith.constant 160 : index
      %swap3A_77 = tpu.vector_load %arg7[%swap3A_75, %swap3A_76] {strides = array<i32>} : memref<128x256xf32, #tpu.memory_space<vmem>>, vector<1x16xf32>,
      %swap3A_78 = vector.shape_cast %swap3A_77 : vector<1x16xf32> to vector<16xf32>
      %swap3A_79 = vector.shape_cast %broadcast_in_dim3A_8 : vector<16xf32> to vector<1x16xf32>
      tpu.vector_store %arg7[%swap3A_75, %swap3A_76], %swap3A_79 {strides = array<i32>} : memref<128x256xf32, #tpu.memory_space<vmem>>, vector<1x16xf32>,
      %swap3A_80 = arith.index_cast %scan3A_25 : i32 to index
      %swap3A_81 = arith.constant 176 : index
      %swap3A_82 = tpu.vector_load %arg7[%swap3A_80, %swap3A_81] {strides = array<i32>} : memref<128x256xf32, #tpu.memory_space<vmem>>, vector<1x16xf32>,
      %swap3A_83 = vector.shape_cast %swap3A_82 : vector<1x16xf32> to vector<16xf32>
      %swap3A_84 = vector.shape_cast %broadcast_in_dim3A_8 : vector<16xf32> to vector<1x16xf32>
      tpu.vector_store %arg7[%swap3A_80, %swap3A_81], %swap3A_84 {strides = array<i32>} : memref<128x256xf32, #tpu.memory_space<vmem>>, vector<1x16xf32>,
      %swap3A_85 = arith.index_cast %scan3A_25 : i32 to index
      %swap3A_86 = arith.constant 192 : index
      %swap3A_87 = tpu.vector_load %arg7[%swap3A_85, %swap3A_86] {strides = array<i32>} : memref<128x256xf32, #tpu.memory_space<vmem>>, vector<1x16xf32>,
      %swap3A_88 = vector.shape_cast %swap3A_87 : vector<1x16xf32> to vector<16xf32>
      %swap3A_89 = vector.shape_cast %broadcast_in_dim3A_8 : vector<16xf32> to vector<1x16xf32>
      tpu.vector_store %arg7[%swap3A_85, %swap3A_86], %swap3A_89 {strides = array<i32>} : memref<128x256xf32, #tpu.memory_space<vmem>>, vector<1x16xf32>,
      %swap3A_90 = arith.index_cast %scan3A_25 : i32 to index
      %swap3A_91 = arith.constant 208 : index
      %swap3A_92 = tpu.vector_load %arg7[%swap3A_90, %swap3A_91] {strides = array<i32>} : memref<128x256xf32, #tpu.memory_space<vmem>>, vector<1x16xf32>,
      %swap3A_93 = vector.shape_cast %swap3A_92 : vector<1x16xf32> to vector<16xf32>
      %swap3A_94 = vector.shape_cast %broadcast_in_dim3A_8 : vector<16xf32> to vector<1x16xf32>
      tpu.vector_store %arg7[%swap3A_90, %swap3A_91], %swap3A_94 {strides = array<i32>} : memref<128x256xf32, #tpu.memory_space<vmem>>, vector<1x16xf32>,
      %swap3A_95 = arith.index_cast %scan3A_25 : i32 to index
      %swap3A_96 = arith.constant 224 : index
      %swap3A_97 = tpu.vector_load %arg7[%swap3A_95, %swap3A_96] {strides = array<i32>} : memref<128x256xf32, #tpu.memory_space<vmem>>, vector<1x16xf32>,
      %swap3A_98 = vector.shape_cast %swap3A_97 : vector<1x16xf32> to vector<16xf32>
      %swap3A_99 = vector.shape_cast %broadcast_in_dim3A_8 : vector<16xf32> to vector<1x16xf32>
      tpu.vector_store %arg7[%swap3A_95, %swap3A_96], %swap3A_99 {strides = array<i32>} : memref<128x256xf32, #tpu.memory_space<vmem>>, vector<1x16xf32>,
      %swap3A_100 = arith.index_cast %scan3A_25 : i32 to index
      %swap3A_101 = arith.constant 240 : index
      %swap3A_102 = tpu.vector_load %arg7[%swap3A_100, %swap3A_101] {strides = array<i32>} : memref<128x256xf32, #tpu.memory_space<vmem>>, vector<1x16xf32>,
      %swap3A_103 = vector.shape_cast %swap3A_102 : vector<1x16xf32> to vector<16xf32>
      %swap3A_104 = vector.shape_cast %broadcast_in_dim3A_8 : vector<16xf32> to vector<1x16xf32>
      tpu.vector_store %arg7[%swap3A_100, %swap3A_101], %swap3A_104 {strides = array<i32>} : memref<128x256xf32, #tpu.memory_space<vmem>>, vector<1x16xf32>,
    }
    %scan3A_13 = arith.constant 128 : i32
    %mul3A = arith.constant 16 : i32
    %mul3A_14 = arith.muli %arg0, %mul3A : i32
    %add3A_15 = arith.addi %mul3A_14, %arg1 : i32
    %mul3A_16 = arith.constant 2 : i32
    %mul3A_17 = arith.muli %arg1, %mul3A_16 : i32
    %add3A_18 = arith.addi %mul3A_17, %arg0 : i32
    %scan3A_19 = arith.constant 0 : i32
    %scan3A_20 = arith.constant 0 : i32
    %scan3A_21 = arith.constant 16 : i32
    %scan3A_22 = arith.addi %scan3A_20, %scan3A_21 : i32
    %scan3A_23 = arith.constant 1 : i32
    scf.for %scan3A_25 = %scan3A_20 to %scan3A_22 step %scan3A_23  : i32 {
      %mul3A_26 = arith.constant 128 : i32
      %mul3A_27 = arith.muli %scan3A_25, %mul3A_26 : i32
      %le3A = arith.cmpi sle, %shift_right_logical3A_3, %mul3A_27 : i32
      %convert_element_type3A_28 = arith.extui %le3A : i1 to i32
      %cond3A_29 = arith.constant 0 : i32
      %cond3A_30 = arith.cmpi ne, %convert_element_type3A_28, %cond3A_29 : i32
      scf.if %cond3A_30 {
        "tpu.region"() ({
          %run_scoped3A = tpu.sem_alloc : memref<!tpu.dma_semaphore, #tpu.memory_space<semaphore_mem>>
          %dma_start3A = arith.constant 0 : i32
          %dma_start3A_34 = tpu.memref_slice %arg4[%mul3A_27, %add3A_18, %dma_start3A] : memref<2048x32x256xf32, #tpu.memory_space<hbm>> -> memref<128x1x256xf32, #tpu.memory_space<hbm>>
          %dma_start3A_35 = tpu.memref_squeeze %dma_start3A_34 : memref<128x1x256xf32, #tpu.memory_space<hbm>> -> memref<128x256xf32, #tpu.memory_space<hbm>>
          %dma_start3A_36 = arith.constant 0 : i32
          %dma_start3A_37 = tpu.memref_slice %arg4[%mul3A_27, %add3A_18, %dma_start3A_36] : memref<2048x32x256xf32, #tpu.memory_space<hbm>> -> memref<128x1x256xf32, #tpu.memory_space<hbm>>
          %dma_start3A_38 = tpu.memref_squeeze %dma_start3A_37 : memref<128x1x256xf32, #tpu.memory_space<hbm>> -> memref<128x256xf32, #tpu.memory_space<hbm>>
          tpu.enqueue_dma source(%arg7 : memref<128x256xf32, #tpu.memory_space<vmem>>) target(%dma_start3A_38 : memref<128x256xf32, #tpu.memory_space<hbm>>) target_semaphore(%run_scoped3A : memref<!tpu.dma_semaphore, #tpu.memory_space<semaphore_mem>>)
          %dma_wait3A = arith.constant 0 : i32
          %dma_wait3A_39 = tpu.memref_slice %arg4[%mul3A_27, %add3A_18, %dma_wait3A] : memref<2048x32x256xf32, #tpu.memory_space<hbm>> -> memref<128x1x256xf32, #tpu.memory_space<hbm>>
          %dma_wait3A_40 = tpu.memref_squeeze %dma_wait3A_39 : memref<128x1x256xf32, #tpu.memory_space<hbm>> -> memref<128x256xf32, #tpu.memory_space<hbm>>
          %dma_wait3A_41 = arith.constant 0 : i32
          %dma_wait3A_42 = tpu.memref_slice %arg4[%mul3A_27, %add3A_18, %dma_wait3A_41] : memref<2048x32x256xf32, #tpu.memory_space<hbm>> -> memref<128x1x256xf32, #tpu.memory_space<hbm>>
          %dma_wait3A_43 = tpu.memref_squeeze %dma_wait3A_42 : memref<128x1x256xf32, #tpu.memory_space<hbm>> -> memref<128x256xf32, #tpu.memory_space<hbm>>
          tpu.wait_dma2 semaphore(%run_scoped3A : memref<!tpu.dma_semaphore, #tpu.memory_space<semaphore_mem>>) src(%arg7 : memref<128x256xf32, #tpu.memory_space<vmem>>) dst(%dma_wait3A_43 : memref<128x256xf32, #tpu.memory_space<hbm>>)
          tpu.yield
        }) : () -> ()
      } else {
      }
      %gt3A = arith.cmpi sgt, %shift_right_logical3A_3, %mul3A_27 : i32
      %convert_element_type3A_31 = arith.extui %gt3A : i1 to i32
      %cond3A_32 = arith.constant 0 : i32
      %cond3A_33 = arith.cmpi ne, %convert_element_type3A_31, %cond3A_32 : i32
      scf.if %cond3A_33 {
        "tpu.region"() ({
          %run_scoped3A = tpu.sem_alloc : memref<!tpu.dma_semaphore, #tpu.memory_space<semaphore_mem>>
          %dma_start3A = arith.constant 0 : i32
          %dma_start3A_39 = tpu.memref_slice %arg2[%mul3A_27, %add3A_15, %dma_start3A] : memref<2048x32x256xf32, #tpu.memory_space<hbm>> -> memref<128x1x256xf32, #tpu.memory_space<hbm>>
          %dma_start3A_40 = tpu.memref_squeeze %dma_start3A_39 : memref<128x1x256xf32, #tpu.memory_space<hbm>> -> memref<128x256xf32, #tpu.memory_space<hbm>>
          %dma_start3A_41 = arith.constant 0 : i32
          %dma_start3A_42 = tpu.memref_slice %arg2[%mul3A_27, %add3A_15, %dma_start3A_41] : memref<2048x32x256xf32, #tpu.memory_space<hbm>> -> memref<128x1x256xf32, #tpu.memory_space<hbm>>
          %dma_start3A_43 = tpu.memref_squeeze %dma_start3A_42 : memref<128x1x256xf32, #tpu.memory_space<hbm>> -> memref<128x256xf32, #tpu.memory_space<hbm>>
          tpu.enqueue_dma source(%dma_start3A_43 : memref<128x256xf32, #tpu.memory_space<hbm>>) target(%arg6 : memref<128x256xf32, #tpu.memory_space<vmem>>) target_semaphore(%run_scoped3A : memref<!tpu.dma_semaphore, #tpu.memory_space<semaphore_mem>>)
          %dma_wait3A = arith.constant 0 : i32
          %dma_wait3A_44 = tpu.memref_slice %arg2[%mul3A_27, %add3A_15, %dma_wait3A] : memref<2048x32x256xf32, #tpu.memory_space<hbm>> -> memref<128x1x256xf32, #tpu.memory_space<hbm>>
          %dma_wait3A_45 = tpu.memref_squeeze %dma_wait3A_44 : memref<128x1x256xf32, #tpu.memory_space<hbm>> -> memref<128x256xf32, #tpu.memory_space<hbm>>
          %dma_wait3A_46 = arith.constant 0 : i32
          %dma_wait3A_47 = tpu.memref_slice %arg2[%mul3A_27, %add3A_15, %dma_wait3A_46] : memref<2048x32x256xf32, #tpu.memory_space<hbm>> -> memref<128x1x256xf32, #tpu.memory_space<hbm>>
          %dma_wait3A_48 = tpu.memref_squeeze %dma_wait3A_47 : memref<128x1x256xf32, #tpu.memory_space<hbm>> -> memref<128x256xf32, #tpu.memory_space<hbm>>
          tpu.wait_dma2 semaphore(%run_scoped3A : memref<!tpu.dma_semaphore, #tpu.memory_space<semaphore_mem>>) src(%dma_wait3A_48 : memref<128x256xf32, #tpu.memory_space<hbm>>) dst(%arg6 : memref<128x256xf32, #tpu.memory_space<vmem>>)
          tpu.yield
        }) : () -> ()
        %add3A_34 = arith.constant 128 : i32
        %add3A_35 = arith.addi %mul3A_27, %add3A_34 : i32
        %lt3A = arith.cmpi slt, %shift_right_logical3A_3, %add3A_35 : i32
        %convert_element_type3A_36 = arith.extui %lt3A : i1 to i32
        %cond3A_37 = arith.constant 0 : i32
        %cond3A_38 = arith.cmpi ne, %convert_element_type3A_36, %cond3A_37 : i32
        scf.if %cond3A_38 {
          %sub3A_39 = arith.subi %shift_right_logical3A_3, %mul3A_27 : i32
          %scan3A_40 = arith.constant 0 : i32
          %scan3A_41 = arith.constant 0 : i32
          %scan3A_42 = arith.constant 128 : i32
          %scan3A_43 = arith.addi %scan3A_41, %scan3A_42 : i32
          %scan3A_44 = arith.constant 1 : i32
          scf.for %scan3A_46 = %scan3A_41 to %scan3A_43 step %scan3A_44  : i32 {
            %ge3A = arith.cmpi sge, %scan3A_46, %sub3A_39 : i32
            %convert_element_type3A_47 = arith.extui %ge3A : i1 to i32
            %cond3A_48 = arith.constant 0 : i32
            %cond3A_49 = arith.cmpi ne, %convert_element_type3A_47, %cond3A_48 : i32
            scf.if %cond3A_49 {
              %swap3A = arith.index_cast %scan3A_46 : i32 to index
              %swap3A_50 = arith.constant 0 : index
              %swap3A_51 = tpu.vector_load %arg6[%swap3A, %swap3A_50] {strides = array<i32>} : memref<128x256xf32, #tpu.memory_space<vmem>>, vector<1x16xf32>,
              %swap3A_52 = vector.shape_cast %swap3A_51 : vector<1x16xf32> to vector<16xf32>
              %swap3A_53 = vector.shape_cast %broadcast_in_dim3A_8 : vector<16xf32> to vector<1x16xf32>
              tpu.vector_store %arg6[%swap3A, %swap3A_50], %swap3A_53 {strides = array<i32>} : memref<128x256xf32, #tpu.memory_space<vmem>>, vector<1x16xf32>,
              %swap3A_54 = arith.index_cast %scan3A_46 : i32 to index
              %swap3A_55 = arith.constant 16 : index
              %swap3A_56 = tpu.vector_load %arg6[%swap3A_54, %swap3A_55] {strides = array<i32>} : memref<128x256xf32, #tpu.memory_space<vmem>>, vector<1x16xf32>,
              %swap3A_57 = vector.shape_cast %swap3A_56 : vector<1x16xf32> to vector<16xf32>
              %swap3A_58 = vector.shape_cast %broadcast_in_dim3A_8 : vector<16xf32> to vector<1x16xf32>
              tpu.vector_store %arg6[%swap3A_54, %swap3A_55], %swap3A_58 {strides = array<i32>} : memref<128x256xf32, #tpu.memory_space<vmem>>, vector<1x16xf32>,
              %swap3A_59 = arith.index_cast %scan3A_46 : i32 to index
              %swap3A_60 = arith.constant 32 : index
              %swap3A_61 = tpu.vector_load %arg6[%swap3A_59, %swap3A_60] {strides = array<i32>} : memref<128x256xf32, #tpu.memory_space<vmem>>, vector<1x16xf32>,
              %swap3A_62 = vector.shape_cast %swap3A_61 : vector<1x16xf32> to vector<16xf32>
              %swap3A_63 = vector.shape_cast %broadcast_in_dim3A_8 : vector<16xf32> to vector<1x16xf32>
              tpu.vector_store %arg6[%swap3A_59, %swap3A_60], %swap3A_63 {strides = array<i32>} : memref<128x256xf32, #tpu.memory_space<vmem>>, vector<1x16xf32>,
              %swap3A_64 = arith.index_cast %scan3A_46 : i32 to index
              %swap3A_65 = arith.constant 48 : index
              %swap3A_66 = tpu.vector_load %arg6[%swap3A_64, %swap3A_65] {strides = array<i32>} : memref<128x256xf32, #tpu.memory_space<vmem>>, vector<1x16xf32>,
              %swap3A_67 = vector.shape_cast %swap3A_66 : vector<1x16xf32> to vector<16xf32>
              %swap3A_68 = vector.shape_cast %broadcast_in_dim3A_8 : vector<16xf32> to vector<1x16xf32>
              tpu.vector_store %arg6[%swap3A_64, %swap3A_65], %swap3A_68 {strides = array<i32>} : memref<128x256xf32, #tpu.memory_space<vmem>>, vector<1x16xf32>,
              %swap3A_69 = arith.index_cast %scan3A_46 : i32 to index
              %swap3A_70 = arith.constant 64 : index
              %swap3A_71 = tpu.vector_load %arg6[%swap3A_69, %swap3A_70] {strides = array<i32>} : memref<128x256xf32, #tpu.memory_space<vmem>>, vector<1x16xf32>,
              %swap3A_72 = vector.shape_cast %swap3A_71 : vector<1x16xf32> to vector<16xf32>
              %swap3A_73 = vector.shape_cast %broadcast_in_dim3A_8 : vector<16xf32> to vector<1x16xf32>
              tpu.vector_store %arg6[%swap3A_69, %swap3A_70], %swap3A_73 {strides = array<i32>} : memref<128x256xf32, #tpu.memory_space<vmem>>, vector<1x16xf32>,
              %swap3A_74 = arith.index_cast %scan3A_46 : i32 to index
              %swap3A_75 = arith.constant 80 : index
              %swap3A_76 = tpu.vector_load %arg6[%swap3A_74, %swap3A_75] {strides = array<i32>} : memref<128x256xf32, #tpu.memory_space<vmem>>, vector<1x16xf32>,
              %swap3A_77 = vector.shape_cast %swap3A_76 : vector<1x16xf32> to vector<16xf32>
              %swap3A_78 = vector.shape_cast %broadcast_in_dim3A_8 : vector<16xf32> to vector<1x16xf32>
              tpu.vector_store %arg6[%swap3A_74, %swap3A_75], %swap3A_78 {strides = array<i32>} : memref<128x256xf32, #tpu.memory_space<vmem>>, vector<1x16xf32>,
              %swap3A_79 = arith.index_cast %scan3A_46 : i32 to index
              %swap3A_80 = arith.constant 96 : index
              %swap3A_81 = tpu.vector_load %arg6[%swap3A_79, %swap3A_80] {strides = array<i32>} : memref<128x256xf32, #tpu.memory_space<vmem>>, vector<1x16xf32>,
              %swap3A_82 = vector.shape_cast %swap3A_81 : vector<1x16xf32> to vector<16xf32>
              %swap3A_83 = vector.shape_cast %broadcast_in_dim3A_8 : vector<16xf32> to vector<1x16xf32>
              tpu.vector_store %arg6[%swap3A_79, %swap3A_80], %swap3A_83 {strides = array<i32>} : memref<128x256xf32, #tpu.memory_space<vmem>>, vector<1x16xf32>,
              %swap3A_84 = arith.index_cast %scan3A_46 : i32 to index
              %swap3A_85 = arith.constant 112 : index
              %swap3A_86 = tpu.vector_load %arg6[%swap3A_84, %swap3A_85] {strides = array<i32>} : memref<128x256xf32, #tpu.memory_space<vmem>>, vector<1x16xf32>,
              %swap3A_87 = vector.shape_cast %swap3A_86 : vector<1x16xf32> to vector<16xf32>
              %swap3A_88 = vector.shape_cast %broadcast_in_dim3A_8 : vector<16xf32> to vector<1x16xf32>
              tpu.vector_store %arg6[%swap3A_84, %swap3A_85], %swap3A_88 {strides = array<i32>} : memref<128x256xf32, #tpu.memory_space<vmem>>, vector<1x16xf32>,
              %swap3A_89 = arith.index_cast %scan3A_46 : i32 to index
              %swap3A_90 = arith.constant 128 : index
              %swap3A_91 = tpu.vector_load %arg6[%swap3A_89, %swap3A_90] {strides = array<i32>} : memref<128x256xf32, #tpu.memory_space<vmem>>, vector<1x16xf32>,
              %swap3A_92 = vector.shape_cast %swap3A_91 : vector<1x16xf32> to vector<16xf32>
              %swap3A_93 = vector.shape_cast %broadcast_in_dim3A_8 : vector<16xf32> to vector<1x16xf32>
              tpu.vector_store %arg6[%swap3A_89, %swap3A_90], %swap3A_93 {strides = array<i32>} : memref<128x256xf32, #tpu.memory_space<vmem>>, vector<1x16xf32>,
              %swap3A_94 = arith.index_cast %scan3A_46 : i32 to index
              %swap3A_95 = arith.constant 144 : index
              %swap3A_96 = tpu.vector_load %arg6[%swap3A_94, %swap3A_95] {strides = array<i32>} : memref<128x256xf32, #tpu.memory_space<vmem>>, vector<1x16xf32>,
              %swap3A_97 = vector.shape_cast %swap3A_96 : vector<1x16xf32> to vector<16xf32>
              %swap3A_98 = vector.shape_cast %broadcast_in_dim3A_8 : vector<16xf32> to vector<1x16xf32>
              tpu.vector_store %arg6[%swap3A_94, %swap3A_95], %swap3A_98 {strides = array<i32>} : memref<128x256xf32, #tpu.memory_space<vmem>>, vector<1x16xf32>,
              %swap3A_99 = arith.index_cast %scan3A_46 : i32 to index
              %swap3A_100 = arith.constant 160 : index
              %swap3A_101 = tpu.vector_load %arg6[%swap3A_99, %swap3A_100] {strides = array<i32>} : memref<128x256xf32, #tpu.memory_space<vmem>>, vector<1x16xf32>,
              %swap3A_102 = vector.shape_cast %swap3A_101 : vector<1x16xf32> to vector<16xf32>
              %swap3A_103 = vector.shape_cast %broadcast_in_dim3A_8 : vector<16xf32> to vector<1x16xf32>
              tpu.vector_store %arg6[%swap3A_99, %swap3A_100], %swap3A_103 {strides = array<i32>} : memref<128x256xf32, #tpu.memory_space<vmem>>, vector<1x16xf32>,
              %swap3A_104 = arith.index_cast %scan3A_46 : i32 to index
              %swap3A_105 = arith.constant 176 : index
              %swap3A_106 = tpu.vector_load %arg6[%swap3A_104, %swap3A_105] {strides = array<i32>} : memref<128x256xf32, #tpu.memory_space<vmem>>, vector<1x16xf32>,
              %swap3A_107 = vector.shape_cast %swap3A_106 : vector<1x16xf32> to vector<16xf32>
              %swap3A_108 = vector.shape_cast %broadcast_in_dim3A_8 : vector<16xf32> to vector<1x16xf32>
              tpu.vector_store %arg6[%swap3A_104, %swap3A_105], %swap3A_108 {strides = array<i32>} : memref<128x256xf32, #tpu.memory_space<vmem>>, vector<1x16xf32>,
              %swap3A_109 = arith.index_cast %scan3A_46 : i32 to index
              %swap3A_110 = arith.constant 192 : index
              %swap3A_111 = tpu.vector_load %arg6[%swap3A_109, %swap3A_110] {strides = array<i32>} : memref<128x256xf32, #tpu.memory_space<vmem>>, vector<1x16xf32>,
              %swap3A_112 = vector.shape_cast %swap3A_111 : vector<1x16xf32> to vector<16xf32>
              %swap3A_113 = vector.shape_cast %broadcast_in_dim3A_8 : vector<16xf32> to vector<1x16xf32>
              tpu.vector_store %arg6[%swap3A_109, %swap3A_110], %swap3A_113 {strides = array<i32>} : memref<128x256xf32, #tpu.memory_space<vmem>>, vector<1x16xf32>,
              %swap3A_114 = arith.index_cast %scan3A_46 : i32 to index
              %swap3A_115 = arith.constant 208 : index
              %swap3A_116 = tpu.vector_load %arg6[%swap3A_114, %swap3A_115] {strides = array<i32>} : memref<128x256xf32, #tpu.memory_space<vmem>>, vector<1x16xf32>,
              %swap3A_117 = vector.shape_cast %swap3A_116 : vector<1x16xf32> to vector<16xf32>
              %swap3A_118 = vector.shape_cast %broadcast_in_dim3A_8 : vector<16xf32> to vector<1x16xf32>
              tpu.vector_store %arg6[%swap3A_114, %swap3A_115], %swap3A_118 {strides = array<i32>} : memref<128x256xf32, #tpu.memory_space<vmem>>, vector<1x16xf32>,
              %swap3A_119 = arith.index_cast %scan3A_46 : i32 to index
              %swap3A_120 = arith.constant 224 : index
              %swap3A_121 = tpu.vector_load %arg6[%swap3A_119, %swap3A_120] {strides = array<i32>} : memref<128x256xf32, #tpu.memory_space<vmem>>, vector<1x16xf32>,
              %swap3A_122 = vector.shape_cast %swap3A_121 : vector<1x16xf32> to vector<16xf32>
              %swap3A_123 = vector.shape_cast %broadcast_in_dim3A_8 : vector<16xf32> to vector<1x16xf32>
              tpu.vector_store %arg6[%swap3A_119, %swap3A_120], %swap3A_123 {strides = array<i32>} : memref<128x256xf32, #tpu.memory_space<vmem>>, vector<1x16xf32>,
              %swap3A_124 = arith.index_cast %scan3A_46 : i32 to index
              %swap3A_125 = arith.constant 240 : index
              %swap3A_126 = tpu.vector_load %arg6[%swap3A_124, %swap3A_125] {strides = array<i32>} : memref<128x256xf32, #tpu.memory_space<vmem>>, vector<1x16xf32>,
              %swap3A_127 = vector.shape_cast %swap3A_126 : vector<1x16xf32> to vector<16xf32>
              %swap3A_128 = vector.shape_cast %broadcast_in_dim3A_8 : vector<16xf32> to vector<1x16xf32>
              tpu.vector_store %arg6[%swap3A_124, %swap3A_125], %swap3A_128 {strides = array<i32>} : memref<128x256xf32, #tpu.memory_space<vmem>>, vector<1x16xf32>,
            } else {
            }
          }
          %scan3A_45 = arith.constant 128 : i32
        } else {
        }
        "tpu.region"() ({
          %run_scoped3A = tpu.sem_alloc : memref<!tpu.dma_semaphore, #tpu.memory_space<semaphore_mem>>
          %dma_start3A = arith.constant 0 : i32
          %dma_start3A_39 = tpu.memref_slice %arg4[%mul3A_27, %add3A_18, %dma_start3A] : memref<2048x32x256xf32, #tpu.memory_space<hbm>> -> memref<128x1x256xf32, #tpu.memory_space<hbm>>
          %dma_start3A_40 = tpu.memref_squeeze %dma_start3A_39 : memref<128x1x256xf32, #tpu.memory_space<hbm>> -> memref<128x256xf32, #tpu.memory_space<hbm>>
          %dma_start3A_41 = arith.constant 0 : i32
          %dma_start3A_42 = tpu.memref_slice %arg4[%mul3A_27, %add3A_18, %dma_start3A_41] : memref<2048x32x256xf32, #tpu.memory_space<hbm>> -> memref<128x1x256xf32, #tpu.memory_space<hbm>>
          %dma_start3A_43 = tpu.memref_squeeze %dma_start3A_42 : memref<128x1x256xf32, #tpu.memory_space<hbm>> -> memref<128x256xf32, #tpu.memory_space<hbm>>
          tpu.enqueue_dma source(%arg6 : memref<128x256xf32, #tpu.memory_space<vmem>>) target(%dma_start3A_43 : memref<128x256xf32, #tpu.memory_space<hbm>>) target_semaphore(%run_scoped3A : memref<!tpu.dma_semaphore, #tpu.memory_space<semaphore_mem>>)
          %dma_wait3A = arith.constant 0 : i32
          %dma_wait3A_44 = tpu.memref_slice %arg4[%mul3A_27, %add3A_18, %dma_wait3A] : memref<2048x32x256xf32, #tpu.memory_space<hbm>> -> memref<128x1x256xf32, #tpu.memory_space<hbm>>
          %dma_wait3A_45 = tpu.memref_squeeze %dma_wait3A_44 : memref<128x1x256xf32, #tpu.memory_space<hbm>> -> memref<128x256xf32, #tpu.memory_space<hbm>>
          %dma_wait3A_46 = arith.constant 0 : i32
          %dma_wait3A_47 = tpu.memref_slice %arg4[%mul3A_27, %add3A_18, %dma_wait3A_46] : memref<2048x32x256xf32, #tpu.memory_space<hbm>> -> memref<128x1x256xf32, #tpu.memory_space<hbm>>
          %dma_wait3A_48 = tpu.memref_squeeze %dma_wait3A_47 : memref<128x1x256xf32, #tpu.memory_space<hbm>> -> memref<128x256xf32, #tpu.memory_space<hbm>>
          tpu.wait_dma2 semaphore(%run_scoped3A : memref<!tpu.dma_semaphore, #tpu.memory_space<semaphore_mem>>) src(%arg6 : memref<128x256xf32, #tpu.memory_space<vmem>>) dst(%dma_wait3A_48 : memref<128x256xf32, #tpu.memory_space<hbm>>)
          tpu.yield
        }) : () -> ()
      } else {
      }
    }
    %scan3A_24 = arith.constant 16 : i32
    return
  }
}

</mosaic_0001>

<sc_bundles>
// kernel: kernel.3.cloned.1.call-start
scs
__scs_entry_jumppad:
0x0: {  	(pc) =	sbr.rel $0x88, $3  }
0x1: {  	(tag) =	ssettag $0x0;
	lr =	simm.s32 $0x1  }
0x2: {  	[smem:$0x3F9F] =	sst lr;
	_ =	strace $0xD0000000  }
0x3: {  	_ = 	snop  }
0x4: {  	_ = 	snop  }
0x5: {  	_ = 	snop  }
0x6: {  	_ = 	snop  }
0x7: {  	_ = 	snop  }
__scs_overlays_trampoline_lowered:
0x8: {  	[smem:$0x3FAE] =	sst s0  }
0x9: {  	[smem:$0x3FAF] =	sst s1  }
0xa: {  	[smem:$0x3FB0] =	sst s2  }
0xb: {  	[smem:$0x3FB1] =	sst s3  }
0xc: {  	[smem:$0x3FB2] =	sst s4  }
0xd: {  	[smem:$0x3FB3] =	sst s5  }
0xe: {  	[smem:$0x3FB4] =	sst s6  }
0xf: {  	[smem:$0x3FB5] =	sst s7  }
0x10: {  	[smem:$0x3FB6] =	sst s8  }
0x11: {  	[smem:$0x3FB7] =	sst s9;
	s0 =	simm.s32 @!p0 $0x0  }
0x12: {  	s1 =	sld [smem:$0x3F9D];
	s0 =	simm.s32 @p0 $0x1  }
0x13: {  	[smem:$0x3FB8] =	sst s0;
	s0 =	simm.s32 @!p1 $0x0  }
0x14: {  	s2 =	sld [smem:$0x3F9C];
	s0 =	simm.s32 @p1 $0x1  }
0x15: {  	[smem:$0x3FB9] =	sst s0;
	s0 =	simm.s32 @!p2 $0x0  }
0x16: {  	s3 =	sld [smem:$0x3FDB];
	s0 =	simm.s32 @p2 $0x1  }
0x17: {  	s4 =	simm.s32 $0x1BF5;
	[smem:$0x3FBB] =	sst s0  }
0x18: {  	s0 =	sld [smem:$0x3F9E];
	_ =	swait.ge [sflag:s4], $0x0  }
0x19: {  	s7 =	sld [smem:$0x3F9F]  }
0x1a: {  	s8 =	sadd.s32 $0xFFFFE003, lr  }
0x1b: {  	s9 =	sadd.s32 $0xFFFFFEF7, lr;
	s5 =	simm.s32 $0xFFFFFFFF;
	p2 =	slt.u32 s8, $0xFFFFF086  }
0x1c: {  	p1 =	slt.u32 s9, $0xF7A;
	s5 =	simm.s32 @!p2 $0x0  }
0x1d: {  	s5 =	simm.s32 @p1 $0x1;
	p0 =	seq.s32 s7, s2  }
0x1e: {  	s7 =	smul.u32 @!p0 $0xF7A, s2;
	p2 =	seq.s32 @!p0 s5, $0x0  }
0x1f: {  	s9 =	smul.u32 $0xF7A, s1;
	s8 =	simm.s32 @!p0 $0x1BF5;
	p2 =	por !p2, p0  }
0x20: {  	[sflag:s8] =	ssyncset.s32 @!p0 $0xFFFFF086;
	s6 =	sadd.s32 @!p0 s3, s7;
	s7 =	simm.s32 @!p0 $0x108  }
0x21: {  	s3 =	sadd.s32 s3, s9;
	s6 =	sadd.s32 @!p0 $0x88, s6;
	s7 =	simm.s32 @p2 $0x1082  }
0x22: {  	[simem:s7], [sflag:s8] =	dma.local @!p0 [hbm:s6], $0xF7A  }
0x23: {  	s9 =	sor.u32 $0xD0000000, s2;
	s6 =	simm.s32 $0x108;
	_ =	swait.ge @!p0 [sflag:s8], $0x0  }
0x24: {  	s3 =	sadd.s32 $0x88, s3;
	s6 =	simm.s32 @!p1 $0x1082;
	[sflag:s4] =	ssyncset.s32 $0xFFFFF086  }
0x25: {  	[simem:s6], [sflag:s4] =	dma.local [hbm:s3], $0xF7A  }
0x26: {  	[smem:$0x3F9F] =	sst s1;
	(tag) =	ssettag s2;
	_ =	strace s9  }
0x27: {  	s1 =	sld [smem:$0x3FAF]  }
0x28: {  	s2 =	sld [smem:$0x3FB0]  }
0x29: {  	s4 =	sld [smem:$0x3FB2]  }
0x2a: {  	p0 =	seq.s32 s5, $0x0;
	s5 =	sld [smem:$0x3FB3]  }
0x2b: {  	s6 =	sld [smem:$0x3FB4]  }
0x2c: {  	s7 =	sld [smem:$0x3FB5]  }
0x2d: {  	s3 =	simm.s32 $0x108;
	s8 =	sld [smem:$0x3FB6]  }
0x2e: {  	s3 =	simm.s32 @!p0 $0x1082;
	s9 =	sld [smem:$0x3FB7]  }
0x2f: {  	lr =	sadd.s32 s0, s3;
	s0 =	sld [smem:$0x3FAE]  }
0x30: {  	s3 =	sld [smem:$0x3FB1]  }
0x31: {  	[smem:$0x3FBA] =	sst s10  }
0x32: {  	s10 =	sld [smem:$0x3FB8];
	_ =	sdelay $0x3  }
0x33: {  	p0 =	seq.s32 s10, $0x1;
	s10 =	sld [smem:$0x3FBA];
	_ =	sdelay $0x3  }
0x34: {  	[smem:$0x3FBA] =	sst s10  }
0x35: {  	s10 =	sld [smem:$0x3FB9];
	_ =	sdelay $0x3  }
0x36: {  	p1 =	seq.s32 s10, $0x1;
	s10 =	sld [smem:$0x3FBA];
	_ =	sdelay $0x3  }
0x37: {  	[smem:$0x3FBA] =	sst s10  }
0x38: {  	s10 =	sld [smem:$0x3FBB]  }
0x39: {  	_ = 	snop;
	(pc) =	sbr.ind lr, $3  }
0x3a: {  	_ = 	snop  }
0x3b: {  	_ = 	snop  }
0x3c: {  	p2 =	seq.s32 s10, $0x1;
	s10 =	sld [smem:$0x3FBA]  }
0x3d: {  	_ =	shalt  }
0x3e: {  	_ =	shalt  }
0x3f: {  	_ =	shalt  }
0x40: {  	_ =	shalt  }
0x41: {  	_ =	shalt  }
0x42: {  	_ =	shalt  }
0x43: {  	_ =	shalt  }
0x44: {  	_ =	shalt  }
0x45: {  	_ =	shalt  }
0x46: {  	_ =	shalt  }
0x47: {  	_ =	shalt  }
0x48: {  	_ =	shalt  }
0x49: {  	_ =	shalt  }
0x4a: {  	_ =	shalt  }
0x4b: {  	_ =	shalt  }
0x4c: {  	_ =	shalt  }
0x4d: {  	_ =	shalt  }
0x4e: {  	_ =	shalt  }
0x4f: {  	_ =	shalt  }
0x50: {  	_ =	shalt  }
0x51: {  	_ =	shalt  }
0x52: {  	_ =	shalt  }
0x53: {  	_ =	shalt  }
0x54: {  	_ =	shalt  }
0x55: {  	_ =	shalt  }
0x56: {  	_ =	shalt  }
0x57: {  	_ =	shalt  }
0x58: {  	_ =	shalt  }
0x59: {  	_ =	shalt  }
0x5a: {  	_ =	shalt  }
0x5b: {  	_ =	shalt  }
0x5c: {  	_ =	shalt  }
0x5d: {  	_ =	shalt  }
0x5e: {  	_ =	shalt  }
0x5f: {  	_ =	shalt  }
0x60: {  	_ =	shalt  }
0x61: {  	_ =	shalt  }
0x62: {  	_ =	shalt  }
0x63: {  	_ =	shalt  }
0x64: {  	_ =	shalt  }
0x65: {  	_ =	shalt  }
0x66: {  	_ =	shalt  }
0x67: {  	_ =	shalt  }
0x68: {  	_ =	shalt  }
0x69: {  	_ =	shalt  }
0x6a: {  	_ =	shalt  }
0x6b: {  	_ =	shalt  }
0x6c: {  	_ =	shalt  }
0x6d: {  	_ =	shalt  }
0x6e: {  	_ =	shalt  }
0x6f: {  	_ =	shalt  }
0x70: {  	_ =	shalt  }
0x71: {  	_ =	shalt  }
0x72: {  	_ =	shalt  }
0x73: {  	_ =	shalt  }
0x74: {  	_ =	shalt  }
0x75: {  	_ =	shalt  }
0x76: {  	_ =	shalt  }
0x77: {  	_ =	shalt  }
0x78: {  	_ =	shalt  }
0x79: {  	_ =	shalt  }
0x7a: {  	_ =	shalt  }
0x7b: {  	_ =	shalt  }
0x7c: {  	_ =	shalt  }
0x7d: {  	_ =	shalt  }
0x7e: {  	_ =	shalt  }
0x7f: {  	_ =	shalt  }
0x80: {  	_ =	shalt  }
0x81: {  	_ =	shalt  }
0x82: {  	_ =	shalt  }
0x83: {  	_ =	shalt  }
0x84: {  	_ =	shalt  }
0x85: {  	_ =	shalt  }
0x86: {  	_ =	shalt  }
0x87: {  	_ =	shalt  }
.Lfunc_end0:
.L_simem_size_0:
called_computation_lowered:
.L_overlay_start_0:
0x88: {  	s2 =	sld [smem:$0x3FD9]  }
0x89: {  	s3 =	sld [smem:$0x3FFE];
	_ =	sdelay $0x1  }
0x8a: {  	s1 =	srdreg.scid  }
0x8b: {  	s0 =	sand.u32 $0x1, s1  }
0x8c: {  	s14 =	sshll.u32 s0, $0xA;
	s2 =	sadd.s32 s3, s2  }
0x8d: {  	s2 =	sadd.s32 s2, s14  }
0x8e: {  	[smem:$0x3FC6] =	sst s2  }
0x8f: {  	_ = 	snop  }
0x90: {  	s2 =	sld [smem:$0x3FD0];
	_ =	sdelay $0x1  }
0x91: {  	s15 =	sld [smem:$0x3FC9]  }
0x92: {  	s5 =	simm.s32 $0xA;
	s6 =	simm.s32 $0x10;
	s4 =	sld [smem:$0x3FC8]  }
0x93: {  	[smem:s6], [sflag:s5] =	dma.local [hbm:s2], $0x1  }
0x94: {  	_ =	swait.eq [sflag:s5], $0x1  }
0x95: {  	[sflag:s5] =	ssyncset.done $0x0  }
0x96: {  	[sflag:s5] =	ssyncadd.s32 $0xFFFFFFFF  }
0x97: {  	s16 =	sld [smem:$0x11];
	(tm) =	ssettm $0x1  }
0x98: {  	s17 =	sld [smem:$0x3FFB];
	_ =	sdelay $0x3  }
0x99: {  	_ =	strace s17  }
0x9a: {  	s5 =	sld [smem:$0x3FFC];
	_ =	sdelay $0x3  }
0x9b: {  	_ =	strace s5  }
0x9c: {  	s5 =	sld [smem:$0x3FFD];
	_ =	sdelay $0x3  }
0x9d: {  	_ =	strace s5  }
0x9e: {  	_ =	strace $0x8FFFFFFF  }
0x9f: {  	s18 =	sld [smem:$0x3FDB];
	_ =	sdelay $0x1  }
0xa0: {  	s19 =	simm.s32 $_scs_section_size  }
0xa1: {  	s7 =	simm.s32 $_size__tile_overlayer_lowered;
	s8 =	simm.s32 $_tile_overlayer_lowered  }
0xa2: {  	s22 =	simm.s32 $0x1BFF;
	s21 =	sshll.u32 s8, $0x1;
	s5 =	sadd.s32 s19, s18  }
0xa3: {  	s9 =	simm.s32 $0x0;
	s20 =	sshll.u32 s7, $0x1;
	s7 =	sadd.s32 s21, s5  }
0xa4: {  	[timem:s9], [sflag:s22] =	dma.local [hbm:s7], s20  }
0xa5: {  	_ =	swait.ge [sflag:s22], s20  }
0xa6: {  	s6 =	ssub.s32 $0x0, s20;
	[sflag:s22] =	ssyncset.done $0x0  }
0xa7: {  	[sflag:s22] =	ssyncadd.s32 s6;
	_ =	sdelay $0x1  }
0xa8: {  	s23 =	simm.s32 $0x1B8B  }
0xa9: {  	_ =	swait.ge [sflag:s23], $0x1  }
0xaa: {  	[sflag:s23] =	ssyncset.done $0x0  }
0xab: {  	s25 =	simm.s32 $0x1B8E;
	s24 =	sld [smem:$0x3FFE];
	[sflag:s23] =	ssyncadd.s32 $0xFFFFFFFF  }
0xac: {  	s26 =	simm.s32 $execute0_lowered;
	[smem:$0x3FD2] =	sst s25  }
0xad: {  	s7 =	sshll.u32 s26, $0x1;
	_ =	strace $0x80000046;
	[dreg:$0x1] =	wrdreg $0xFFFFFFFF  }
0xae: {  	s28 =	simm.s32 $_size_execute0_lowered;
	s5 =	sadd.s32 s5, s7;
	[dreg:$0x0] =	wrdreg $0x0  }
0xaf: {  	s7 =	sshll.u32 s28, $0x1;
	[dreg:$0x2] =	wrdreg s5  }
0xb0: {  	[dreg:$0x3] =	wrdreg s7  }
0xb1: {  	[dreg:$0x4] =	wrdreg $0xC0  }
0xb2: {  	_ =	task [dreg:s9], $0x5FFFF  }
0xb3: {  	[dreg:$0x1] =	wrdreg $0xFFFFFFFF  }
0xb4: {  	[dreg:$0x0] =	wrdreg $0x60  }
0xb5: {  	[dreg:$0x2] =	wrdreg s15  }
0xb6: {  	[dreg:$0x3] =	wrdreg s4  }
0xb7: {  	[dreg:$0x4] =	wrdreg s24  }
0xb8: {  	[dreg:$0x5] =	wrdreg s16  }
0xb9: {  	[dreg:$0x6] =	wrdreg $0x9  }
0xba: {  	_ =	task.clear_ibuf [dreg:s9], $0x7FFFF;
	_ =	strace $0x90000046  }
0xbb: {  	s29 =	simm.s32 $0x9;
	_ =	strace $0x80000048  }
0xbc: {  	_ =	swait.ge [sflag:s29], $0x1  }
0xbd: {  	[sflag:s29] =	ssyncadd.s32 $0xFFFFFFFF  }
0xbe: {  	_ =	strace $0x90000048  }
0xbf: {  	_ =	sfence  }
0xc0: {  	s30 =	sld [smem:$0x0];
	_ =	sdelay $0x2  }
0xc1: {  	s31 =	sshll.u32 s1, $0xD;
	s1 =	sshrl.u32 s1, $0x2  }
0xc2: {  	s3 =	sand.u32 $0x4000, s31;
	s1 =	sadd.s32 s1, s30  }
0xc3: {  	s0 =	sor.u32 s3, s0;
	s1 =	sshll.u32 s1, $0x11  }
0xc4: {  	s0 =	sor.u32 s1, s0  }
0xc5: {  	s0 =	sadd.s32 $0x8F2B, s0  }
0xc6: {  	[sflag:s0] =	ssyncadd.remote.s32 $0x1  }
0xc7: {  	_ =	sfence.sel $0xFFFF  }
0xc8: {  	[dreg:$0x0] =	wrdreg $0xFFFFFFFF;
	(pc) =	sbr.abs _section_cstart, $3  }
0xc9: {  	[dreg:$0x1] =	wrdreg $0xFFFFFFFF  }
0xca: {  	_ =	task.clear_ibuf [dreg:s9], $0x2FFFF;
	_ =	strace $0x9FFFFFFF  }
0xcb: {  	(tm) =	ssettm $0x7FFFFFFF  }
tec
execute0_lowered:
.L_overlay_start_1:
0x0: {  	(tag) =	ssettag $0x1  }
0x1: {  	s1 =	rddreg [dreg:$0x0]  }
0x2: {  	s2 =	rddreg [dreg:$0x1]  }
0x3: {  	s6 =	rddreg [dreg:$0x2]  }
0x4: {  	s3 =	rddreg [dreg:$0x3];
	s5 =	srdreg.scid  }
0x5: {  	s0 =	rddreg [dreg:$0x4];
	s4 =	simm.s32 $0x0;
	s18 =	simm.s32 $0x0  }
0x6: {  	s8 =	sand.u32 $0x1, s5;
	[smem:$0x7FF] =	sst s4;
	s5 =	stileid.u32  }
0x7: {  	s6 =	sadd.s32 $0x800, s6;
	s7 =	ssub.s32 $0x2, s8;
	_ =	strace $0x80000047  }
0x8: {  	s31 =	sshll.u32 s5, $0x1;
	s10 =	sshll.u32 s5, $0x6;
	s12 =	sor.u32 s8, s5  }
0x9: {  	s14 =	sshll.u32 s5, $0x7;
	s15 =	sshll.u32 s5, $0x8;
	s16 =	sshll.u32 s5, $0x9  }
0xa: {  	s9 =	sshrl.u32 s7, $0x1;
	s10 =	sand.u32 $0x300, s10;
	s14 =	sand.u32 $0x380, s14  }
0xb: {  	s15 =	sand.u32 $0x800, s15;
	s16 =	sand.u32 $0x1800, s16;
	p0 =	sne.s32 s12, $0x0  }
0xc: {  	s12 =	simm.s32 $0x10000;
	s11 =	ssub.s32 s7, s9;
	s7 =	sxor.u32 $0x1, s8  }
0xd: {  	s9 =	sor.u32 s8, s31;
	s10 =	sadd.s32 s6, s10;
	s8 =	sshll.u32 s8, $0xC  }
.Ltmp0:
0xe: {  	s13 =	sshll.u32 s9, $0x4;
	s9 =	sshll.u32 s9, $0x7;
	(pc) =	sbr.rel .LBB2_1-.Ltmp0, $4  }
0xf: {  	s15 =	sor.u32 s8, s15;
	s11 =	smax.u32 s11, $0x1;
	s13 =	sand.u32 $0x70, s13  }
0x10: {  	s17 =	sand.u32 $0x380, s9;
	s9 =	sor.u32 s14, s15;
	s14 =	simm.s32 $0x10010  }
0x11: {  	s15 =	simm.s32 $0x80;
	s8 =	sadd.s32 s13, s10;
	s10 =	sor.u32 s16, s17  }
0x12: {  	v0 =	vimm.f32 $0.0e+00;
	s13 =	simm.s32 $0x1;
	s16 =	simm.s32 $0x2000;
	s17 =	simm.s32 $0x2  }
.LBB2_18:
0x13: {  	s18 =	sadd.s32 $0x1, s18  }
0x14: {  	p1 =	sne.s32 s18, s11  }
.Ltmp1:
0x15: {  	_ = 	snop;
	(pc) =	sbr.rel @!p1 .LBB2_19-.Ltmp1, $1  }
0x16: {  	_ =	sdelay $0x3  }
.LBB2_1:
0x17: {  	[tilespmem:s12], [sflag:$0x1] =	stream.linear.gather [hbm4b:s2+s4], $0x10, $0x38;
	[tilespmem:$0x10100] =	vst v63  }
0x18: {  	_ =	swait.ge [sflag:s13], $0x10  }
0x19: {  	[sflag:s13] =	ssyncset.done $0x0  }
0x1a: {  	[sflag:s13] =	ssyncadd.s32 $0xFFFFFFF0  }
0x1b: {  	[tilespmem:s14], [sflag:$0x1] =	stream.linear.gather [hbm4b:s2+s4], $0x10, $0x38;
	[tilespmem:$0x10100] =	vst v63  }
0x1c: {  	_ =	swait.ge [sflag:s13], $0x10  }
0x1d: {  	[sflag:s13] =	ssyncset.done $0x0  }
0x1e: {  	[sflag:s13] =	ssyncadd.s32 $0xFFFFFFF0  }
0x1f: {  	v1 =	vld [tilespmem:s5+$0x10000];
	_ =	sdelay $0x4  }
0x20: {  	(v2sf) =	vpush v1, $0x0;
	_ =	sdelay $0x5  }
0x21: {  	v1 =	vld @!p0 [tilespmem:$0x10000];
	_ =	sdelay $0x4  }
0x22: {  	v1 =	vadd.s32 @!p0 $0x1, v1  }
0x23: {  	v1 =	vshrl.u32 @!p0 v1, $0x1  }
0x24: {  	s19 =	simm.s32 @!p0 $0x0;
	s20 =	simm.s32 @!p0 $0x10080;
	[tilespmem:$0x10080] =	vst @!p0 v1  }
0x25: {  	[hbm4b:s3+s19] =	stream.linear.scatter @!p0 [tilespmem:s20], [sflag:$0x1], $0x80, $0x38;
	[tilespmem:$0x10100] =	vst v63  }
0x26: {  	s20 =	simm.s32 @!p0 $0x1;
	s30 =	spop (v2sf)  }
0x27: {  	_ =	swait.ge @!p0 [sflag:s20], $0x80  }
0x28: {  	s21 =	sand.u32 $0x7800, s4;
	s22 =	sand.u32 $0x380, s4;
	[sflag:s20] =	ssyncset.done @!p0 $0x0  }
0x29: {  	[sflag:s20] =	ssyncadd.s32 @!p0 $0xFFFFFF80;
	s20 =	sor.u32 s22, s21  }
0x2a: {  	[tilespmem:s20+$0x8470] =	vst v0  }
0x2b: {  	[tilespmem:s20+$0x8000] =	vst v0  }
0x2c: {  	[tilespmem:s20+$0x8010] =	vst v0  }
0x2d: {  	[tilespmem:s20+$0x8020] =	vst v0  }
0x2e: {  	[tilespmem:s20+$0x8030] =	vst v0  }
0x2f: {  	[tilespmem:s20+$0x8040] =	vst v0  }
0x30: {  	[tilespmem:s20+$0x8050] =	vst v0  }
0x31: {  	[tilespmem:s20+$0x8060] =	vst v0  }
0x32: {  	[tilespmem:s20+$0x8070] =	vst v0  }
0x33: {  	[tilespmem:s20+$0x8400] =	vst v0  }
0x34: {  	[tilespmem:s20+$0x8410] =	vst v0  }
0x35: {  	[tilespmem:s20+$0x8420] =	vst v0  }
0x36: {  	s31 =	simm.s32 $0x100;
	[tilespmem:s20+$0x8430] =	vst v0  }
0x37: {  	s23 =	sand.u32 $0x7800, s31;
	s19 =	sadd.s32 s30, s7;
	s21 =	simm.s32 $0x80;
	[tilespmem:s20+$0x8440] =	vst v0  }
0x38: {  	s19 =	sshrl.u32 s19, $0x1;
	s22 =	simm.s32 $0x200;
	s24 =	sand.u32 $0x380, s21;
	[tilespmem:s20+$0x8450] =	vst v0  }
.LBB2_2:
0x39: {  	p1 =	sne.s32 s22, $0x7F00;
	[tilespmem:s20+$0x8460] =	vst v0;
	s20 =	sor.u32 s24, s23  }
0x3a: {  	[tilespmem:s20+$0x8470] =	vst v0  }
0x3b: {  	[tilespmem:s20+$0x8000] =	vst v0  }
0x3c: {  	[tilespmem:s20+$0x8010] =	vst v0  }
0x3d: {  	[tilespmem:s20+$0x8020] =	vst v0  }
0x3e: {  	[tilespmem:s20+$0x8030] =	vst v0  }
0x3f: {  	[tilespmem:s20+$0x8040] =	vst v0  }
0x40: {  	[tilespmem:s20+$0x8050] =	vst v0  }
0x41: {  	[tilespmem:s20+$0x8060] =	vst v0  }
0x42: {  	[tilespmem:s20+$0x8070] =	vst v0  }
0x43: {  	[tilespmem:s20+$0x8400] =	vst v0  }
.Ltmp2:
0x44: {  	[tilespmem:s20+$0x8410] =	vst v0;
	(pc) =	sbr.rel @p1 .LBB2_2-.Ltmp2, $4  }
0x45: {  	[tilespmem:s20+$0x8420] =	vst v0  }
0x46: {  	[tilespmem:s20+$0x8430] =	vst v0  }
0x47: {  	s21 =	sadd.s32 $0x80, s21;
	[tilespmem:s20+$0x8440] =	vst v0  }
0x48: {  	s23 =	sand.u32 $0x7800, s22;
	s22 =	sadd.s32 $0x100, s22;
	s24 =	sand.u32 $0x380, s21;
	[tilespmem:s20+$0x8450] =	vst v0  }
0x49: {  	s21 =	sor.u32 s24, s23;
	[tilespmem:s20+$0x8460] =	vst v0  }
0x4a: {  	[tilespmem:s21+$0x8470] =	vst v0  }
0x4b: {  	[tilespmem:s21+$0x8000] =	vst v0  }
0x4c: {  	[tilespmem:s21+$0x8010] =	vst v0  }
0x4d: {  	[tilespmem:s21+$0x8020] =	vst v0  }
0x4e: {  	[tilespmem:s21+$0x8030] =	vst v0  }
0x4f: {  	[tilespmem:s21+$0x8040] =	vst v0  }
0x50: {  	[tilespmem:s21+$0x8050] =	vst v0  }
0x51: {  	[tilespmem:s21+$0x8060] =	vst v0  }
0x52: {  	[tilespmem:s21+$0x8070] =	vst v0  }
0x53: {  	[tilespmem:s21+$0x8400] =	vst v0  }
0x54: {  	[tilespmem:s21+$0x8410] =	vst v0  }
.Ltmp3:
0x55: {  	[tilespmem:s21+$0x8420] =	vst v0;
	(pc) =	sbr.rel .LBB2_4-.Ltmp3, $4  }
0x56: {  	[tilespmem:s21+$0x8430] =	vst v0  }
0x57: {  	[tilespmem:s21+$0x8440] =	vst v0  }
0x58: {  	[tilespmem:s21+$0x8450] =	vst v0  }
0x59: {  	s20 =	simm.s32 $0x0;
	[tilespmem:s21+$0x8460] =	vst v0  }
.LBB2_7:
0x5a: {  	[hbm4b:s24+s15] =	stream.strided.scatter [tilespmem:s23], [sflag:$0x2], $0x400, s16, s15, $0x38;
	[tilespmem:$0x10100] =	vst v63  }
0x5b: {  	s21 =	simm.s32 $0x2  }
.LBB2_17:
0x5c: {  	s20 =	sadd.s32 $0x1, s20  }
0x5d: {  	p1 =	sne.s32 s20, $0x10  }
.Ltmp4:
0x5e: {  	_ = 	snop;
	(pc) =	sbr.rel @!p1 .LBB2_18-.Ltmp4, $4  }
0x5f: {  	_ = 	snop  }
0x60: {  	_ =	swait.ge [sflag:s21], $0x8000  }
0x61: {  	[sflag:s21] =	ssyncset.done $0x0  }
0x62: {  	[sflag:s21] =	ssyncadd.s32 $0xFFFF8000  }
.LBB2_4:
0x63: {  	s22 =	sshll.u32 s20, $0x7  }
0x64: {  	p1 =	sgt.u32 s19, s22  }
.Ltmp5:
0x65: {  	_ = 	snop;
	(pc) =	sbr.rel @!p1 .LBB2_5-.Ltmp5, $1  }
0x66: {  	_ =	sdelay $0x3  }
0x67: {  	s21 =	sshll.u32 s20, $0x14  }
0x68: {  	s23 =	sor.u32 s9, s21  }
0x69: {  	s23 =	sshrl.u32 s23, $0x3  }
0x6a: {  	s23 =	sadd.s32 s1, s23  }
0x6b: {  	s24 =	simm.s32 $0x0;
	s25 =	sadd.s32 $0x0, s23  }
0x6c: {  	[tilespmem:s24], [sflag:$0x2] =	stream.strided.gather [hbm4b:s25+s15], $0x400, s16, s15, $0x38;
	[tilespmem:$0x10100] =	vst v63  }
0x6d: {  	s26 =	simm.s32 $0x400;
	s24 =	simm.s32 $0x2000;
	s25 =	sadd.s32 $0x80, s25  }
.LBB2_9:
0x6e: {  	[tilespmem:s26], [sflag:$0x2] =	stream.strided.gather [hbm4b:s25+s15], $0x400, s16, s15, $0x38;
	[tilespmem:$0x10100] =	vst v63  }
0x6f: {  	s25 =	smov.u32 s24;
	p1 =	sne.s32 s24, $0x1E000  }
.Ltmp6:
0x70: {  	s24 =	sadd.s32 $0x2000, s24;
	(pc) =	sbr.rel @p1 .LBB2_9-.Ltmp6, $4  }
0x71: {  	_ = 	snop  }
0x72: {  	s26 =	sadd.s32 s25, s23;
	s28 =	sshra.s32 s25, $0x2  }
0x73: {  	[tilespmem:s28], [sflag:$0x2] =	stream.strided.gather [hbm4b:s26+s15], $0x400, s16, s15, $0x38;
	[tilespmem:$0x10100] =	vst v63  }
0x74: {  	s25 =	sadd.s32 $0x80, s26;
	s26 =	sadd.s32 $0x400, s28  }
0x75: {  	s23 =	sadd.s32 $0x80, s22  }
0x76: {  	p1 =	sge.u32 s19, s23  }
.Ltmp7:
0x77: {  	_ = 	snop;
	(pc) =	sbr.rel @p1 .LBB2_14-.Ltmp7, $4  }
0x78: {  	[tilespmem:s26], [sflag:$0x2] =	stream.strided.gather [hbm4b:s25+s15], $0x400, s16, s15, $0x38;
	[tilespmem:$0x10100] =	vst v63  }
0x79: {  	_ =	swait.ge [sflag:s17], $0x8000  }
0x7a: {  	[sflag:s17] =	ssyncset.done $0x0  }
0x7b: {  	[sflag:s17] =	ssyncadd.s32 $0xFFFF8000  }
0x7c: {  	s22 =	ssub.s32 s19, s22  }
0x7d: {  	s23 =	simm.s32 $0x0;
	p1 =	sgt.s32 s22, $0x0  }
0x7e: {  	s24 =	sand.u32 @!p1 $0x7800, s23;
	s25 =	sand.u32 @!p1 $0x380, s23  }
0x7f: {  	v1 =	vimm.f32 @!p1 $0.0e+00;
	s24 =	sor.u32 @!p1 s25, s24;
	p1 =	por p1, p1  }
0x80: {  	[tilespmem:s24+$0x470] =	vst @!p1 v1  }
0x81: {  	[tilespmem:s24+$0x0] =	vst @!p1 v1  }
0x82: {  	[tilespmem:s24+$0x10] =	vst @!p1 v1  }
0x83: {  	[tilespmem:s24+$0x20] =	vst @!p1 v1  }
0x84: {  	[tilespmem:s24+$0x30] =	vst @!p1 v1  }
0x85: {  	[tilespmem:s24+$0x40] =	vst @!p1 v1  }
0x86: {  	[tilespmem:s24+$0x50] =	vst @!p1 v1  }
0x87: {  	[tilespmem:s24+$0x60] =	vst @!p1 v1  }
0x88: {  	[tilespmem:s24+$0x70] =	vst @!p1 v1  }
0x89: {  	[tilespmem:s24+$0x400] =	vst @!p1 v1  }
0x8a: {  	[tilespmem:s24+$0x410] =	vst @!p1 v1  }
0x8b: {  	[tilespmem:s24+$0x420] =	vst @!p1 v1  }
0x8c: {  	s26 =	simm.s32 $0x1;
	s25 =	simm.s32 $0x80;
	[tilespmem:s24+$0x430] =	vst @!p1 v1  }
.LBB2_12:
0x8d: {  	p3 =	slt.s32 s26, s22  }
0x8e: {  	[tilespmem:s24+$0x440] =	vst @!p1 v1;
	s23 =	sadd.s32 $0x100, s23;
	s28 =	smov.u32 s25;
	s25 =	sadd.s32 $0x80, s25  }
0x8f: {  	s29 =	sand.u32 @!p3 $0x7800, s23;
	s28 =	sand.u32 @!p3 $0x380, s28;
	p2 =	sne.s32 s25, $0x4000;
	[tilespmem:s24+$0x450] =	vst @!p1 v1  }
0x90: {  	[tilespmem:s24+$0x460] =	vst @!p1 v1;
	v1 =	vimm.f32 @!p3 $0.0e+00;
	s24 =	sor.u32 @!p3 s28, s29;
	p1 =	por p3, p3  }
0x91: {  	[tilespmem:s24+$0x470] =	vst @!p1 v1  }
0x92: {  	[tilespmem:s24+$0x0] =	vst @!p1 v1  }
0x93: {  	[tilespmem:s24+$0x10] =	vst @!p1 v1  }
0x94: {  	[tilespmem:s24+$0x20] =	vst @!p1 v1  }
0x95: {  	[tilespmem:s24+$0x30] =	vst @!p1 v1  }
0x96: {  	[tilespmem:s24+$0x40] =	vst @!p1 v1  }
0x97: {  	[tilespmem:s24+$0x50] =	vst @!p1 v1  }
0x98: {  	[tilespmem:s24+$0x60] =	vst @!p1 v1  }
.Ltmp8:
0x99: {  	[tilespmem:s24+$0x70] =	vst @!p1 v1;
	(pc) =	sbr.rel @p2 .LBB2_12-.Ltmp8, $4  }
0x9a: {  	[tilespmem:s24+$0x400] =	vst @!p1 v1  }
0x9b: {  	[tilespmem:s24+$0x410] =	vst @!p1 v1  }
0x9c: {  	[tilespmem:s24+$0x420] =	vst @!p1 v1  }
0x9d: {  	s26 =	sadd.s32 $0x1, s26;
	[tilespmem:s24+$0x430] =	vst @!p1 v1  }
0x9e: {  	[tilespmem:s24+$0x440] =	vst @!p1 v1  }
0x9f: {  	[tilespmem:s24+$0x450] =	vst @!p1 v1  }
0xa0: {  	[tilespmem:s24+$0x460] =	vst @!p1 v1  }
.LBB2_14:
0xa1: {  	s21 =	sor.u32 s21, s10  }
0xa2: {  	s21 =	sshrl.u32 s21, $0x3  }
0xa3: {  	s21 =	sadd.s32 s6, s21  }
0xa4: {  	s22 =	simm.s32 $0x0;
	s24 =	sadd.s32 $0x0, s21  }
0xa5: {  	[hbm4b:s24+s15] =	stream.strided.scatter [tilespmem:s22], [sflag:$0x1], $0x400, s16, s15, $0x38;
	[tilespmem:$0x10100] =	vst v63  }
0xa6: {  	s23 =	simm.s32 $0x400;
	s22 =	simm.s32 $0x2000;
	s24 =	sadd.s32 $0x80, s24  }
.LBB2_15:
0xa7: {  	[hbm4b:s24+s15] =	stream.strided.scatter [tilespmem:s23], [sflag:$0x1], $0x400, s16, s15, $0x38;
	[tilespmem:$0x10100] =	vst v63  }
0xa8: {  	s23 =	smov.u32 s22;
	p1 =	sne.s32 s22, $0x1E000  }
.Ltmp9:
0xa9: {  	s22 =	sadd.s32 $0x2000, s22;
	(pc) =	sbr.rel @p1 .LBB2_15-.Ltmp9, $4  }
0xaa: {  	_ = 	snop  }
0xab: {  	s24 =	sshra.s32 s23, $0x2;
	s25 =	sadd.s32 s23, s21  }
0xac: {  	[hbm4b:s25+s15] =	stream.strided.scatter [tilespmem:s24], [sflag:$0x1], $0x400, s16, s15, $0x38;
	[tilespmem:$0x10100] =	vst v63  }
0xad: {  	s23 =	sadd.s32 $0x400, s24;
	s24 =	sadd.s32 $0x80, s25  }
.Ltmp10:
0xae: {  	(pc) =	sbr.rel .LBB2_17-.Ltmp10, $3  }
0xaf: {  	_ =	sdelay $0x1  }
0xb0: {  	[hbm4b:s24+s15] =	stream.strided.scatter [tilespmem:s23], [sflag:$0x1], $0x400, s16, s15, $0x38;
	[tilespmem:$0x10100] =	vst v63  }
0xb1: {  	s21 =	simm.s32 $0x1  }
.LBB2_5:
0xb2: {  	p1 =	por $0x0, $0x0  }
.Ltmp11:
0xb3: {  	s21 =	sshll.u32 s20, $0x11;
	(pc) =	sbr.rel @p1 .LBB2_7-.Ltmp11, $4  }
0xb4: {  	s21 =	sadd.s32 s21, s8  }
0xb5: {  	s22 =	simm.s32 $0x8000;
	s24 =	sadd.s32 $0x0, s21  }
0xb6: {  	[hbm4b:s24+s15] =	stream.strided.scatter [tilespmem:s22], [sflag:$0x2], $0x400, s16, s15, $0x38;
	[tilespmem:$0x10100] =	vst v63  }
0xb7: {  	s23 =	simm.s32 $0x8400;
	s22 =	simm.s32 $0x2000;
	s24 =	sadd.s32 $0x80, s24  }
.LBB2_6:
0xb8: {  	[hbm4b:s24+s15] =	stream.strided.scatter [tilespmem:s23], [sflag:$0x2], $0x400, s16, s15, $0x38;
	[tilespmem:$0x10100] =	vst v63  }
0xb9: {  	s23 =	smov.u32 s22;
	p1 =	seq.s32 s22, $0x1E000  }
.Ltmp12:
0xba: {  	s22 =	sadd.s32 $0x2000, s22;
	(pc) =	sbr.rel @!p1 .LBB2_6-.Ltmp12, $4  }
0xbb: {  	s24 =	sshra.s32 s23, $0x2  }
0xbc: {  	s26 =	sadd.s32 s23, s21;
	s25 =	sadd.s32 $0x8000, s24  }
0xbd: {  	[hbm4b:s26+s15] =	stream.strided.scatter [tilespmem:s25], [sflag:$0x2], $0x400, s16, s15, $0x38;
	[tilespmem:$0x10100] =	vst v63  }
0xbe: {  	s23 =	sadd.s32 $0x8400, s24;
	s24 =	sadd.s32 $0x80, s26  }
.Ltmp13:
0xbf: {  	_ = 	snop;
	(pc) =	sbr.rel .LBB2_7-.Ltmp13, $1  }
0xc0: {  	_ =	sdelay $0x3  }
.LBB2_19:
0xc1: {  	_ =	sfence.sel $0x180000  }
0xc2: {  	[bflag:$0x0] =	sbarrier.arrive $0xFFFF  }
0xc3: {  	p0 =	sne.s32 s5, $0x0;
	_ =	strace $0x90000047  }
0xc4: {  	s0 =	sadd.s32 @!p0 $0x100000, s0;
	[bflag:$0x2] =	sbarrier.arrive $0xFFFF  }
0xc5: {  	[sflag:s0] =	ssyncadd.tile.s32 @!p0 $0x1;
	_ =	shalt  }
.Lfunc_end2:
_tile_overlayer_lowered:
.L_overlay_start_2:
0xc6: {  	(tag) =	ssettag $0x2  }
0xc7: {  	s0 =	rddreg [dreg:$0x0];
	s2 =	stileid.u32  }
0xc8: {  	s1 =	rddreg [dreg:$0x1];
	p0 =	sne.s32 s2, $0x0  }
0xc9: {  	s3 =	rddreg [dreg:$0x2];
	[bflag:$0x3] =	sbarrier.arrive $0xFFFF;
	s2 =	simm.s32 @!p0 $0x1C01  }
0xca: {  	[timem:s3], [sflag:s2] =	dma.local @!p0 [hbm:s0], s1  }
0xcb: {  	s0 =	simm.s32 @!p0 $0x1  }
0xcc: {  	_ =	swait.ge @!p0 [sflag:s0], s1  }
0xcd: {  	s1 =	ssub.s32 @!p0 $0x0, s1;
	[sflag:s0] =	ssyncset.done @!p0 $0x0  }
0xce: {  	[sflag:s0] =	ssyncadd.s32 @!p0 s1  }
0xcf: {  	[bflag:$0x3] =	sbarrier.arrive $0xFFFF  }
0xd0: {  	_ =	shalt  }

</sc_bundles>
